<compile_context>
chip_gen: v7x
topology: tpu7x:2x2x1
jax: 0.10.2.dev20260603
libtpu: 0.0.44.dev20260713+nightly
codegen_flags: <defaults>
</compile_context>

<pallas_src>
import functools

import jax
import jax.numpy as jnp
from jax import lax
from jax.experimental import pallas as pl
from jax.experimental.pallas import tpu as pltpu
from jax.experimental.pallas import tpu_sc as plsc

_D = 128
_CHUNK = 128
_NC, _NS = 2, 16
_NW = _NC * _NS


def _matmul2_block(x_ref, wd_ref, wg_ref, out_ref):
    h = jnp.maximum(
        jnp.dot(x_ref[...], wd_ref[...], preferred_element_type=jnp.float32), 0.0
    )
    out_ref[...] = jnp.dot(h, wg_ref[...], preferred_element_type=jnp.float32)


def _add_relu_block(a_ref, b_ref, out_ref):
    out_ref[...] = jnp.maximum(a_ref[...] + b_ref[...], 0.0)


@functools.partial(jax.jit, static_argnums=(2, 3))
def _sc_gather_scatter(args, zeros, G, NACC):
    hw, src2d, dst2d = args
    rows_init = NACC // _NS

    mesh = plsc.VectorSubcoreMesh(
        core_axis_name="c", subcore_axis_name="s", num_cores=_NC, num_subcores=_NS
    )

    @functools.partial(
        pl.kernel,
        out_type=jax.ShapeDtypeStruct((_NC, NACC, _D), jnp.float32),
        mesh=mesh,
        scratch_types=[
            pltpu.VMEM((1, _CHUNK), jnp.int32),
            pltpu.VMEM((1, _CHUNK), jnp.int32),
            pltpu.VMEM((_CHUNK, _D), jnp.float32),
            pltpu.VMEM_SHARED((NACC, _D), jnp.float32),
            pltpu.SemaphoreType.DMA,
        ],
    )
    def sc_kernel(hw_hbm, src_hbm, dst_hbm, zeros_hbm, out_hbm,
                  src_v, dst_v, rows_v, acc, sem_g):
        c = lax.axis_index("c")
        s = lax.axis_index("s")
        wid = s * _NC + c
        base = s * rows_init
        pltpu.sync_copy(zeros_hbm.at[pl.ds(base, rows_init)],
                        acc.at[pl.ds(base, rows_init)])
        plsc.subcore_barrier()

        @pl.loop(0, G)
        def _edge_chunk(g):
            t = wid * G + g
            pltpu.sync_copy(src_hbm.at[pl.ds(t, 1)], src_v)
            pltpu.sync_copy(dst_hbm.at[pl.ds(t, 1)], dst_v)
            pltpu.async_copy(hw_hbm.at[src_v.at[0]], rows_v, sem_g).wait()
            pltpu.sync_copy(rows_v, acc.at[dst_v.at[0]], add=True)

        plsc.subcore_barrier()
        pltpu.sync_copy(acc.at[pl.ds(base, rows_init)],
                        out_hbm.at[c, pl.ds(base, rows_init)])

    return sc_kernel(hw, src2d, dst2d, zeros)


def kernel(nodes_features, edge_index, W_dense, W_gcn1):
    N, D = nodes_features.shape
    E = edge_index.shape[1]
    BM = 1000

    hw = pl.pallas_call(
        _matmul2_block,
        grid=(N // BM,),
        in_specs=[
            pl.BlockSpec((BM, D), lambda i: (i, 0)),
            pl.BlockSpec((D, D), lambda i: (0, 0)),
            pl.BlockSpec((D, D), lambda i: (0, 0)),
        ],
        out_specs=pl.BlockSpec((BM, D), lambda i: (i, 0)),
        out_shape=jax.ShapeDtypeStruct((N, D), jnp.float32),
    )(nodes_features, W_dense, W_gcn1)

    G = -(-E // (_NW * _CHUNK))
    EPAD = _NW * G * _CHUNK
    NACC = -(-(N + 1) // (_NS * 8)) * (_NS * 8)
    src = edge_index[0]
    dst = edge_index[1]
    pad = EPAD - E
    ar = jnp.arange(pad, dtype=jnp.int32)
    pad_src = (ar * 61) % N
    pad_dst = N + ar % (NACC - N)
    src2d = jnp.concatenate([src, pad_src]).reshape(-1, _CHUNK)
    dst2d = jnp.concatenate([dst, pad_dst]).reshape(-1, _CHUNK)
    zeros = jnp.zeros((NACC, D), jnp.float32)

    partials = _sc_gather_scatter((hw, src2d, dst2d), zeros, G, NACC)

    p0 = partials[0, :N]
    p1 = partials[1, :N]
    out = pl.pallas_call(
        _add_relu_block,
        grid=(N // BM,),
        in_specs=[
            pl.BlockSpec((BM, D), lambda i: (i, 0)),
            pl.BlockSpec((BM, D), lambda i: (i, 0)),
        ],
        out_specs=pl.BlockSpec((BM, D), lambda i: (i, 0)),
        out_shape=jax.ShapeDtypeStruct((N, D), jnp.float32),
    )(p0, p1)
    return out

# --- scband reference (transcript-rebuilt; emitter-appended) ---
"""Pipeline reference for scband-test-28767690949391 (READ-ONLY COPY).

The authoritative reference and input builder live on the scoring server;
editing this copy changes nothing except your own understanding.
"""

import jax, jax.numpy as jnp
import numpy as np

N_NODES = 10000
N_EDGES = 320000
D_FEAT = 128


def setup_inputs(seed: int = 0) -> dict:
    key = jax.random.key(seed)
    k1, k2, k3, k4 = jax.random.split(key, 4)
    nodes_features = jax.random.normal(k1, (N_NODES, D_FEAT), dtype=jnp.float32)
    edge_index = jax.random.randint(k2, (2, N_EDGES), 0, N_NODES, dtype=jnp.int32)
    # Learned parameters (bias=False): Dense(128->128) and one GraphConvolution(128->128)
    W_dense = jax.random.normal(k3, (D_FEAT, D_FEAT), dtype=jnp.float32) * (1.0 / np.sqrt(D_FEAT))
    W_gcn1 = jax.random.normal(k4, (D_FEAT, D_FEAT), dtype=jnp.float32) * (1.0 / np.sqrt(D_FEAT))
    return {
        "nodes_features": nodes_features,
        "edge_index": edge_index,
        "W_dense": W_dense,
        "W_gcn1": W_gcn1,
    }


def reference(nodes_features, edge_index, W_dense, W_gcn1):
    # Dense layer: relu(X W) (bias=False)
    h = jax.nn.relu(nodes_features @ W_dense)
    src = edge_index[0]
    dst = edge_index[1]
    N = nodes_features.shape[0]
    # GraphConvolution layers: relu(A (H W)), sparse A applied as gather + scatter-add
    for W in (W_gcn1,):
        hw = h @ W
        msgs = jnp.take(hw, src, axis=0)
        agg = jax.ops.segment_sum(msgs, dst, num_segments=N)
        h = jax.nn.relu(agg)
    return h

if __name__ == "__main__":
    import jax
    _d = setup_inputs()
    print(jax.jit(kernel)(*tuple(_d.values())))

</pallas_src>

<mosaic_0001>
#map = affine_map<(d0, d1) -> (0, 0)>
#map1 = affine_map<(d0, d1) -> (0, 0, 0)>
module attributes {stable_mosaic.version = 14 : i64} {
  func.func @sc_kernel(%arg0: i32, %arg1: i32, %arg2: memref<10000x128xf32, #tpu.memory_space<hbm>>, %arg3: memref<2528x128xi32, #tpu.memory_space<hbm>>, %arg4: memref<2528x128xi32, #tpu.memory_space<hbm>>, %arg5: memref<10112x128xf32, #tpu.memory_space<hbm>>, %arg6: memref<2x10112x128xf32, #tpu.memory_space<hbm>>, %arg7: memref<1x128xi32, #tpu.memory_space<vmem>>, %arg8: memref<1x128xi32, #tpu.memory_space<vmem>>, %arg9: memref<128x128xf32, #tpu.memory_space<vmem>>, %arg10: memref<10112x128xf32, #tpu.memory_space<vmem_shared>>, %arg11: memref<!tpu.dma_semaphore, #tpu.memory_space<semaphore_mem>>) attributes {dimension_semantics = [#tpu.dimension_semantics<core_parallel>, #tpu.dimension_semantics<subcore_parallel>], iteration_bounds = array<i64: 2, 16>, scalar_prefetch = 0 : i64, scratch_operands = 5 : i64, tpu.core_type = #tpu.core_type<sc_vector_subcore>, window_params = [{transform_indices = #map}, {transform_indices = #map}, {transform_indices = #map}, {transform_indices = #map}, {transform_indices = #map1}]} {
    %mul3A = arith.constant 2 : i32
    %mul3A_0 = arith.muli %arg1, %mul3A : i32
    %add3A = arith.addi %mul3A_0, %arg0 : i32
    %mul3A_1 = arith.constant 632 : i32
    %mul3A_2 = arith.muli %arg1, %mul3A_1 : i32
    "tpu.region"() ({
      %run_scoped3A = tpu.sem_alloc : memref<!tpu.dma_semaphore, #tpu.memory_space<semaphore_mem>>
      %dma_start3A = arith.constant 0 : i32
      %dma_start3A_8 = tpu.memref_slice %arg10[%mul3A_2, %dma_start3A] : memref<10112x128xf32, #tpu.memory_space<vmem_shared>> -> memref<632x128xf32, #tpu.memory_space<vmem_shared>>
      %dma_start3A_9 = arith.constant 0 : i32
      %dma_start3A_10 = tpu.memref_slice %arg5[%mul3A_2, %dma_start3A_9] : memref<10112x128xf32, #tpu.memory_space<hbm>> -> memref<632x128xf32, #tpu.memory_space<hbm>>
      tpu.enqueue_dma source(%dma_start3A_10 : memref<632x128xf32, #tpu.memory_space<hbm>>) target(%dma_start3A_8 : memref<632x128xf32, #tpu.memory_space<vmem_shared>>) target_semaphore(%run_scoped3A : memref<!tpu.dma_semaphore, #tpu.memory_space<semaphore_mem>>)
      %dma_wait3A = arith.constant 0 : i32
      %dma_wait3A_11 = tpu.memref_slice %arg10[%mul3A_2, %dma_wait3A] : memref<10112x128xf32, #tpu.memory_space<vmem_shared>> -> memref<632x128xf32, #tpu.memory_space<vmem_shared>>
      %dma_wait3A_12 = arith.constant 0 : i32
      %dma_wait3A_13 = tpu.memref_slice %arg5[%mul3A_2, %dma_wait3A_12] : memref<10112x128xf32, #tpu.memory_space<hbm>> -> memref<632x128xf32, #tpu.memory_space<hbm>>
      tpu.wait_dma2 semaphore(%run_scoped3A : memref<!tpu.dma_semaphore, #tpu.memory_space<semaphore_mem>>) src(%dma_wait3A_13 : memref<632x128xf32, #tpu.memory_space<hbm>>) dst(%dma_wait3A_11 : memref<632x128xf32, #tpu.memory_space<vmem_shared>>)
      tpu.yield
    }) : () -> ()
    %barrier3A = arith.constant 0 : index
    tpu.barrier barrier_id(%barrier3A)
    %scan3A = arith.constant 0 : i32
    %scan3A_3 = arith.constant 79 : i32
    %scan3A_4 = arith.addi %scan3A, %scan3A_3 : i32
    %scan3A_5 = arith.constant 1 : i32
    scf.for %scan3A_8 = %scan3A to %scan3A_4 step %scan3A_5  : i32 {
      %mul3A_9 = arith.constant 1 : i32
      %mul3A_10 = arith.muli %scan3A_8, %mul3A_9 : i32
      %add3A_11 = arith.constant 0 : i32
      %add3A_12 = arith.addi %add3A_11, %mul3A_10 : i32
      %mul3A_13 = arith.constant 79 : i32
      %mul3A_14 = arith.muli %add3A, %mul3A_13 : i32
      %add3A_15 = arith.addi %mul3A_14, %add3A_12 : i32
      "tpu.region"() ({
        %run_scoped3A_28 = tpu.sem_alloc : memref<!tpu.dma_semaphore, #tpu.memory_space<semaphore_mem>>
        %dma_start3A_29 = arith.constant 0 : i32
        %dma_start3A_30 = tpu.memref_slice %arg3[%add3A_15, %dma_start3A_29] : memref<2528x128xi32, #tpu.memory_space<hbm>> -> memref<1x128xi32, #tpu.memory_space<hbm>>
        %dma_start3A_31 = arith.constant 0 : i32
        %dma_start3A_32 = tpu.memref_slice %arg3[%add3A_15, %dma_start3A_31] : memref<2528x128xi32, #tpu.memory_space<hbm>> -> memref<1x128xi32, #tpu.memory_space<hbm>>
        tpu.enqueue_dma source(%dma_start3A_32 : memref<1x128xi32, #tpu.memory_space<hbm>>) target(%arg7 : memref<1x128xi32, #tpu.memory_space<vmem>>) target_semaphore(%run_scoped3A_28 : memref<!tpu.dma_semaphore, #tpu.memory_space<semaphore_mem>>)
        %dma_wait3A_33 = arith.constant 0 : i32
        %dma_wait3A_34 = tpu.memref_slice %arg3[%add3A_15, %dma_wait3A_33] : memref<2528x128xi32, #tpu.memory_space<hbm>> -> memref<1x128xi32, #tpu.memory_space<hbm>>
        %dma_wait3A_35 = arith.constant 0 : i32
        %dma_wait3A_36 = tpu.memref_slice %arg3[%add3A_15, %dma_wait3A_35] : memref<2528x128xi32, #tpu.memory_space<hbm>> -> memref<1x128xi32, #tpu.memory_space<hbm>>
        tpu.wait_dma2 semaphore(%run_scoped3A_28 : memref<!tpu.dma_semaphore, #tpu.memory_space<semaphore_mem>>) src(%dma_wait3A_36 : memref<1x128xi32, #tpu.memory_space<hbm>>) dst(%arg7 : memref<1x128xi32, #tpu.memory_space<vmem>>)
        tpu.yield
      }) : () -> ()
      "tpu.region"() ({
        %run_scoped3A_28 = tpu.sem_alloc : memref<!tpu.dma_semaphore, #tpu.memory_space<semaphore_mem>>
        %dma_start3A_29 = arith.constant 0 : i32
        %dma_start3A_30 = tpu.memref_slice %arg4[%add3A_15, %dma_start3A_29] : memref<2528x128xi32, #tpu.memory_space<hbm>> -> memref<1x128xi32, #tpu.memory_space<hbm>>
        %dma_start3A_31 = arith.constant 0 : i32
        %dma_start3A_32 = tpu.memref_slice %arg4[%add3A_15, %dma_start3A_31] : memref<2528x128xi32, #tpu.memory_space<hbm>> -> memref<1x128xi32, #tpu.memory_space<hbm>>
        tpu.enqueue_dma source(%dma_start3A_32 : memref<1x128xi32, #tpu.memory_space<hbm>>) target(%arg8 : memref<1x128xi32, #tpu.memory_space<vmem>>) target_semaphore(%run_scoped3A_28 : memref<!tpu.dma_semaphore, #tpu.memory_space<semaphore_mem>>)
        %dma_wait3A_33 = arith.constant 0 : i32
        %dma_wait3A_34 = tpu.memref_slice %arg4[%add3A_15, %dma_wait3A_33] : memref<2528x128xi32, #tpu.memory_space<hbm>> -> memref<1x128xi32, #tpu.memory_space<hbm>>
        %dma_wait3A_35 = arith.constant 0 : i32
        %dma_wait3A_36 = tpu.memref_slice %arg4[%add3A_15, %dma_wait3A_35] : memref<2528x128xi32, #tpu.memory_space<hbm>> -> memref<1x128xi32, #tpu.memory_space<hbm>>
        tpu.wait_dma2 semaphore(%run_scoped3A_28 : memref<!tpu.dma_semaphore, #tpu.memory_space<semaphore_mem>>) src(%dma_wait3A_36 : memref<1x128xi32, #tpu.memory_space<hbm>>) dst(%arg8 : memref<1x128xi32, #tpu.memory_space<vmem>>)
        tpu.yield
      }) : () -> ()
      %dma_start3A = arith.constant 0 : i32
      %dma_start3A_16 = arith.constant 0 : i32
      %dma_start3A_17 = tpu.memref_slice %arg7[%dma_start3A, %dma_start3A_16] : memref<1x128xi32, #tpu.memory_space<vmem>> -> memref<1x128xi32, #tpu.memory_space<vmem>>
      %dma_start3A_18 = tpu.memref_squeeze %dma_start3A_17 : memref<1x128xi32, #tpu.memory_space<vmem>> -> memref<128xi32, #tpu.memory_space<vmem>>
      %dma_start3A_19 = arith.constant 0 : i32
      %dma_start3A_20 = arith.constant 0 : i32
      %dma_start3A_21 = tpu.memref_slice %arg2[%dma_start3A_19, %dma_start3A_20] : memref<10000x128xf32, #tpu.memory_space<hbm>> -> memref<10000x128xf32, #tpu.memory_space<hbm>>
      tpu.enqueue_indirect_dma source(%dma_start3A_21 : memref<10000x128xf32, #tpu.memory_space<hbm>>) target(%arg9 : memref<128x128xf32, #tpu.memory_space<vmem>>) offsets(%dma_start3A_18 : memref<128xi32, #tpu.memory_space<vmem>>) semaphore(%arg11 : memref<!tpu.dma_semaphore, #tpu.memory_space<semaphore_mem>>)
      %dma_wait3A = arith.constant 0 : i32
      %dma_wait3A_22 = arith.constant 0 : i32
      %dma_wait3A_23 = tpu.memref_slice %arg7[%dma_wait3A, %dma_wait3A_22] : memref<1x128xi32, #tpu.memory_space<vmem>> -> memref<1x128xi32, #tpu.memory_space<vmem>>
      %dma_wait3A_24 = tpu.memref_squeeze %dma_wait3A_23 : memref<1x128xi32, #tpu.memory_space<vmem>> -> memref<128xi32, #tpu.memory_space<vmem>>
      %dma_wait3A_25 = arith.constant 0 : i32
      %dma_wait3A_26 = arith.constant 0 : i32
      %dma_wait3A_27 = tpu.memref_slice %arg2[%dma_wait3A_25, %dma_wait3A_26] : memref<10000x128xf32, #tpu.memory_space<hbm>> -> memref<10000x128xf32, #tpu.memory_space<hbm>>
      tpu.wait_indirect_dma semaphore(%arg11 : memref<!tpu.dma_semaphore, #tpu.memory_space<semaphore_mem>>) src(%dma_wait3A_27 : memref<10000x128xf32, #tpu.memory_space<hbm>>) dst(%arg9 : memref<128x128xf32, #tpu.memory_space<vmem>>)
      %run_scoped3A = arith.constant 0 : i32
      "tpu.region"() ({
        %run_scoped3A_28 = tpu.sem_alloc : memref<!tpu.dma_semaphore, #tpu.memory_space<semaphore_mem>>
        %dma_start3A_29 = arith.constant 0 : i32
        %dma_start3A_30 = tpu.memref_slice %arg8[%run_scoped3A, %dma_start3A_29] : memref<1x128xi32, #tpu.memory_space<vmem>> -> memref<1x128xi32, #tpu.memory_space<vmem>>
        %dma_start3A_31 = tpu.memref_squeeze %dma_start3A_30 : memref<1x128xi32, #tpu.memory_space<vmem>> -> memref<128xi32, #tpu.memory_space<vmem>>
        %dma_start3A_32 = arith.constant 0 : i32
        %dma_start3A_33 = arith.constant 0 : i32
        %dma_start3A_34 = tpu.memref_slice %arg10[%dma_start3A_32, %dma_start3A_33] : memref<10112x128xf32, #tpu.memory_space<vmem_shared>> -> memref<10112x128xf32, #tpu.memory_space<vmem_shared>>
        tpu.enqueue_indirect_dma source(%arg9 : memref<128x128xf32, #tpu.memory_space<vmem>>) target(%dma_start3A_34 : memref<10112x128xf32, #tpu.memory_space<vmem_shared>>) offsets(%dma_start3A_31 : memref<128xi32, #tpu.memory_space<vmem>>) semaphore(%run_scoped3A_28 : memref<!tpu.dma_semaphore, #tpu.memory_space<semaphore_mem>>) {add = true}
        %dma_wait3A_35 = arith.constant 0 : i32
        %dma_wait3A_36 = tpu.memref_slice %arg8[%run_scoped3A, %dma_wait3A_35] : memref<1x128xi32, #tpu.memory_space<vmem>> -> memref<1x128xi32, #tpu.memory_space<vmem>>
        %dma_wait3A_37 = tpu.memref_squeeze %dma_wait3A_36 : memref<1x128xi32, #tpu.memory_space<vmem>> -> memref<128xi32, #tpu.memory_space<vmem>>
        %dma_wait3A_38 = arith.constant 0 : i32
        %dma_wait3A_39 = arith.constant 0 : i32
        %dma_wait3A_40 = tpu.memref_slice %arg10[%dma_wait3A_38, %dma_wait3A_39] : memref<10112x128xf32, #tpu.memory_space<vmem_shared>> -> memref<10112x128xf32, #tpu.memory_space<vmem_shared>>
        tpu.wait_indirect_dma semaphore(%run_scoped3A_28 : memref<!tpu.dma_semaphore, #tpu.memory_space<semaphore_mem>>) src(%arg9 : memref<128x128xf32, #tpu.memory_space<vmem>>) dst(%dma_wait3A_40 : memref<10112x128xf32, #tpu.memory_space<vmem_shared>>)
        tpu.yield
      }) : () -> ()
    }
    %scan3A_6 = arith.constant 79 : i32
    %barrier3A_7 = arith.constant 0 : index
    tpu.barrier barrier_id(%barrier3A_7)
    "tpu.region"() ({
      %run_scoped3A = tpu.sem_alloc : memref<!tpu.dma_semaphore, #tpu.memory_space<semaphore_mem>>
      %dma_start3A = arith.constant 0 : i32
      %dma_start3A_8 = tpu.memref_slice %arg6[%arg0, %mul3A_2, %dma_start3A] : memref<2x10112x128xf32, #tpu.memory_space<hbm>> -> memref<1x632x128xf32, #tpu.memory_space<hbm>>
      %dma_start3A_9 = tpu.memref_squeeze %dma_start3A_8 : memref<1x632x128xf32, #tpu.memory_space<hbm>> -> memref<632x128xf32, #tpu.memory_space<hbm>>
      %dma_start3A_10 = arith.constant 0 : i32
      %dma_start3A_11 = tpu.memref_slice %arg10[%mul3A_2, %dma_start3A_10] : memref<10112x128xf32, #tpu.memory_space<vmem_shared>> -> memref<632x128xf32, #tpu.memory_space<vmem_shared>>
      tpu.enqueue_dma source(%dma_start3A_11 : memref<632x128xf32, #tpu.memory_space<vmem_shared>>) target(%dma_start3A_9 : memref<632x128xf32, #tpu.memory_space<hbm>>) target_semaphore(%run_scoped3A : memref<!tpu.dma_semaphore, #tpu.memory_space<semaphore_mem>>)
      %dma_wait3A = arith.constant 0 : i32
      %dma_wait3A_12 = tpu.memref_slice %arg6[%arg0, %mul3A_2, %dma_wait3A] : memref<2x10112x128xf32, #tpu.memory_space<hbm>> -> memref<1x632x128xf32, #tpu.memory_space<hbm>>
      %dma_wait3A_13 = tpu.memref_squeeze %dma_wait3A_12 : memref<1x632x128xf32, #tpu.memory_space<hbm>> -> memref<632x128xf32, #tpu.memory_space<hbm>>
      %dma_wait3A_14 = arith.constant 0 : i32
      %dma_wait3A_15 = tpu.memref_slice %arg10[%mul3A_2, %dma_wait3A_14] : memref<10112x128xf32, #tpu.memory_space<vmem_shared>> -> memref<632x128xf32, #tpu.memory_space<vmem_shared>>
      tpu.wait_dma2 semaphore(%run_scoped3A : memref<!tpu.dma_semaphore, #tpu.memory_space<semaphore_mem>>) src(%dma_wait3A_15 : memref<632x128xf32, #tpu.memory_space<vmem_shared>>) dst(%dma_wait3A_13 : memref<632x128xf32, #tpu.memory_space<hbm>>)
      tpu.yield
    }) : () -> ()
    return
  }
}

</mosaic_0001>

<sc_bundles>
// kernel: _sc_gather_scatter.3.cloned.1.call-start
scs
__scs_entry_jumppad:
0x0: {  	(pc) =	sbr.rel $0x88, $3  }
0x1: {  	(tag) =	ssettag $0x0;
	lr =	simm.s32 $0x1  }
0x2: {  	[smem:$0x3F9D] =	sst lr;
	_ =	strace $0xD0000000  }
0x3: {  	_ = 	snop  }
0x4: {  	_ = 	snop  }
0x5: {  	_ = 	snop  }
0x6: {  	_ = 	snop  }
0x7: {  	_ = 	snop  }
__scs_overlays_trampoline_lowered:
0x8: {  	[smem:$0x3FAC] =	sst s0  }
0x9: {  	[smem:$0x3FAD] =	sst s1  }
0xa: {  	[smem:$0x3FAE] =	sst s2  }
0xb: {  	[smem:$0x3FAF] =	sst s3  }
0xc: {  	[smem:$0x3FB0] =	sst s4  }
0xd: {  	[smem:$0x3FB1] =	sst s5  }
0xe: {  	[smem:$0x3FB2] =	sst s6  }
0xf: {  	[smem:$0x3FB3] =	sst s7  }
0x10: {  	[smem:$0x3FB4] =	sst s8  }
0x11: {  	[smem:$0x3FB5] =	sst s9;
	s0 =	simm.s32 @!p0 $0x0  }
0x12: {  	s1 =	sld [smem:$0x3F9B];
	s0 =	simm.s32 @p0 $0x1  }
0x13: {  	[smem:$0x3FB6] =	sst s0;
	s0 =	simm.s32 @!p1 $0x0  }
0x14: {  	s2 =	sld [smem:$0x3F9A];
	s0 =	simm.s32 @p1 $0x1  }
0x15: {  	[smem:$0x3FB7] =	sst s0;
	s0 =	simm.s32 @!p2 $0x0  }
0x16: {  	s3 =	sld [smem:$0x3FDB];
	s0 =	simm.s32 @p2 $0x1  }
0x17: {  	s4 =	simm.s32 $0x1BF5;
	[smem:$0x3FB9] =	sst s0  }
0x18: {  	s0 =	sld [smem:$0x3F9C];
	_ =	swait.ge [sflag:s4], $0x0  }
0x19: {  	s7 =	sld [smem:$0x3F9D]  }
0x1a: {  	s8 =	sadd.s32 $0xFFFFE003, lr  }
0x1b: {  	s9 =	sadd.s32 $0xFFFFFEF7, lr;
	s5 =	simm.s32 $0xFFFFFFFF;
	p2 =	slt.u32 s8, $0xFFFFF086  }
0x1c: {  	p1 =	slt.u32 s9, $0xF7A;
	s5 =	simm.s32 @!p2 $0x0  }
0x1d: {  	s5 =	simm.s32 @p1 $0x1;
	p0 =	seq.s32 s7, s2  }
0x1e: {  	s7 =	smul.u32 @!p0 $0xF7A, s2;
	p2 =	seq.s32 @!p0 s5, $0x0  }
0x1f: {  	s9 =	smul.u32 $0xF7A, s1;
	s8 =	simm.s32 @!p0 $0x1BF5;
	p2 =	por !p2, p0  }
0x20: {  	[sflag:s8] =	ssyncset.s32 @!p0 $0xFFFFF086;
	s6 =	sadd.s32 @!p0 s3, s7;
	s7 =	simm.s32 @!p0 $0x108  }
0x21: {  	s3 =	sadd.s32 s3, s9;
	s6 =	sadd.s32 @!p0 $0x88, s6;
	s7 =	simm.s32 @p2 $0x1082  }
0x22: {  	[simem:s7], [sflag:s8] =	dma.local @!p0 [hbm:s6], $0xF7A  }
0x23: {  	s9 =	sor.u32 $0xD0000000, s2;
	s6 =	simm.s32 $0x108;
	_ =	swait.ge @!p0 [sflag:s8], $0x0  }
0x24: {  	s3 =	sadd.s32 $0x88, s3;
	s6 =	simm.s32 @!p1 $0x1082;
	[sflag:s4] =	ssyncset.s32 $0xFFFFF086  }
0x25: {  	[simem:s6], [sflag:s4] =	dma.local [hbm:s3], $0xF7A  }
0x26: {  	[smem:$0x3F9D] =	sst s1;
	(tag) =	ssettag s2;
	_ =	strace s9  }
0x27: {  	s1 =	sld [smem:$0x3FAD]  }
0x28: {  	s2 =	sld [smem:$0x3FAE]  }
0x29: {  	s4 =	sld [smem:$0x3FB0]  }
0x2a: {  	p0 =	seq.s32 s5, $0x0;
	s5 =	sld [smem:$0x3FB1]  }
0x2b: {  	s6 =	sld [smem:$0x3FB2]  }
0x2c: {  	s7 =	sld [smem:$0x3FB3]  }
0x2d: {  	s3 =	simm.s32 $0x108;
	s8 =	sld [smem:$0x3FB4]  }
0x2e: {  	s3 =	simm.s32 @!p0 $0x1082;
	s9 =	sld [smem:$0x3FB5]  }
0x2f: {  	lr =	sadd.s32 s0, s3;
	s0 =	sld [smem:$0x3FAC]  }
0x30: {  	s3 =	sld [smem:$0x3FAF]  }
0x31: {  	[smem:$0x3FB8] =	sst s10  }
0x32: {  	s10 =	sld [smem:$0x3FB6];
	_ =	sdelay $0x3  }
0x33: {  	p0 =	seq.s32 s10, $0x1;
	s10 =	sld [smem:$0x3FB8];
	_ =	sdelay $0x3  }
0x34: {  	[smem:$0x3FB8] =	sst s10  }
0x35: {  	s10 =	sld [smem:$0x3FB7];
	_ =	sdelay $0x3  }
0x36: {  	p1 =	seq.s32 s10, $0x1;
	s10 =	sld [smem:$0x3FB8];
	_ =	sdelay $0x3  }
0x37: {  	[smem:$0x3FB8] =	sst s10  }
0x38: {  	s10 =	sld [smem:$0x3FB9]  }
0x39: {  	_ = 	snop;
	(pc) =	sbr.ind lr, $3  }
0x3a: {  	_ = 	snop  }
0x3b: {  	_ = 	snop  }
0x3c: {  	p2 =	seq.s32 s10, $0x1;
	s10 =	sld [smem:$0x3FB8]  }
0x3d: {  	_ =	shalt  }
0x3e: {  	_ =	shalt  }
0x3f: {  	_ =	shalt  }
0x40: {  	_ =	shalt  }
0x41: {  	_ =	shalt  }
0x42: {  	_ =	shalt  }
0x43: {  	_ =	shalt  }
0x44: {  	_ =	shalt  }
0x45: {  	_ =	shalt  }
0x46: {  	_ =	shalt  }
0x47: {  	_ =	shalt  }
0x48: {  	_ =	shalt  }
0x49: {  	_ =	shalt  }
0x4a: {  	_ =	shalt  }
0x4b: {  	_ =	shalt  }
0x4c: {  	_ =	shalt  }
0x4d: {  	_ =	shalt  }
0x4e: {  	_ =	shalt  }
0x4f: {  	_ =	shalt  }
0x50: {  	_ =	shalt  }
0x51: {  	_ =	shalt  }
0x52: {  	_ =	shalt  }
0x53: {  	_ =	shalt  }
0x54: {  	_ =	shalt  }
0x55: {  	_ =	shalt  }
0x56: {  	_ =	shalt  }
0x57: {  	_ =	shalt  }
0x58: {  	_ =	shalt  }
0x59: {  	_ =	shalt  }
0x5a: {  	_ =	shalt  }
0x5b: {  	_ =	shalt  }
0x5c: {  	_ =	shalt  }
0x5d: {  	_ =	shalt  }
0x5e: {  	_ =	shalt  }
0x5f: {  	_ =	shalt  }
0x60: {  	_ =	shalt  }
0x61: {  	_ =	shalt  }
0x62: {  	_ =	shalt  }
0x63: {  	_ =	shalt  }
0x64: {  	_ =	shalt  }
0x65: {  	_ =	shalt  }
0x66: {  	_ =	shalt  }
0x67: {  	_ =	shalt  }
0x68: {  	_ =	shalt  }
0x69: {  	_ =	shalt  }
0x6a: {  	_ =	shalt  }
0x6b: {  	_ =	shalt  }
0x6c: {  	_ =	shalt  }
0x6d: {  	_ =	shalt  }
0x6e: {  	_ =	shalt  }
0x6f: {  	_ =	shalt  }
0x70: {  	_ =	shalt  }
0x71: {  	_ =	shalt  }
0x72: {  	_ =	shalt  }
0x73: {  	_ =	shalt  }
0x74: {  	_ =	shalt  }
0x75: {  	_ =	shalt  }
0x76: {  	_ =	shalt  }
0x77: {  	_ =	shalt  }
0x78: {  	_ =	shalt  }
0x79: {  	_ =	shalt  }
0x7a: {  	_ =	shalt  }
0x7b: {  	_ =	shalt  }
0x7c: {  	_ =	shalt  }
0x7d: {  	_ =	shalt  }
0x7e: {  	_ =	shalt  }
0x7f: {  	_ =	shalt  }
0x80: {  	_ =	shalt  }
0x81: {  	_ =	shalt  }
0x82: {  	_ =	shalt  }
0x83: {  	_ =	shalt  }
0x84: {  	_ =	shalt  }
0x85: {  	_ =	shalt  }
0x86: {  	_ =	shalt  }
0x87: {  	_ =	shalt  }
.Lfunc_end0:
.L_simem_size_0:
called_computation_lowered:
.L_overlay_start_0:
0x88: {  	s2 =	sld [smem:$0x3FD9]  }
0x89: {  	s3 =	sld [smem:$0x3FFE];
	_ =	sdelay $0x1  }
0x8a: {  	s1 =	srdreg.scid  }
0x8b: {  	s0 =	sand.u32 $0x1, s1  }
0x8c: {  	s18 =	sshll.u32 s0, $0xA;
	s2 =	sadd.s32 s3, s2  }
0x8d: {  	s2 =	sadd.s32 s2, s18  }
0x8e: {  	[smem:$0x3FC4] =	sst s2  }
0x8f: {  	_ = 	snop  }
0x90: {  	s2 =	sld [smem:$0x3FC9]  }
0x91: {  	s19 =	sld [smem:$0x3FC8]  }
0x92: {  	s4 =	sld [smem:$0x3FC7]  }
0x93: {  	s5 =	sld [smem:$0x3FC6]  }
0x94: {  	s6 =	sld [smem:$0x3FD0];
	(tm) =	ssettm $0x1  }
0x95: {  	s7 =	sld [smem:$0x3FFB];
	_ =	sdelay $0x3  }
0x96: {  	_ =	strace s7  }
0x97: {  	s7 =	sld [smem:$0x3FFC];
	_ =	sdelay $0x3  }
0x98: {  	_ =	strace s7  }
0x99: {  	s7 =	sld [smem:$0x3FFD];
	_ =	sdelay $0x3  }
0x9a: {  	_ =	strace s7  }
0x9b: {  	_ =	strace $0x8FFFFFFF  }
0x9c: {  	s20 =	sld [smem:$0x3FDB];
	_ =	sdelay $0x1  }
0x9d: {  	s8 =	simm.s32 $_scs_section_size  }
0x9e: {  	s9 =	simm.s32 $_size__tile_overlayer_lowered;
	s10 =	simm.s32 $_tile_overlayer_lowered  }
0x9f: {  	s23 =	simm.s32 $0x1BFF;
	s22 =	sshll.u32 s10, $0x1;
	s7 =	sadd.s32 s8, s20  }
0xa0: {  	s11 =	simm.s32 $0x0;
	s21 =	sshll.u32 s9, $0x1;
	s9 =	sadd.s32 s22, s7  }
0xa1: {  	[timem:s11], [sflag:s23] =	dma.local [hbm:s9], s21  }
0xa2: {  	_ =	swait.ge [sflag:s23], s21  }
0xa3: {  	s8 =	ssub.s32 $0x0, s21;
	[sflag:s23] =	ssyncset.done $0x0  }
0xa4: {  	[sflag:s23] =	ssyncadd.s32 s8;
	_ =	sdelay $0x1  }
0xa5: {  	s24 =	simm.s32 $0x1B8B  }
0xa6: {  	_ =	swait.ge [sflag:s24], $0x1  }
0xa7: {  	[sflag:s24] =	ssyncset.done $0x0  }
0xa8: {  	s25 =	simm.s32 $0x1B8E;
	[sflag:s24] =	ssyncadd.s32 $0xFFFFFFFF  }
0xa9: {  	s26 =	simm.s32 $execute0_lowered;
	[smem:$0x3FD2] =	sst s25  }
0xaa: {  	s8 =	sshll.u32 s26, $0x1;
	_ =	strace $0x80000046;
	[dreg:$0x1] =	wrdreg $0xFFFFFFFF  }
0xab: {  	s28 =	simm.s32 $_size_execute0_lowered;
	s7 =	sadd.s32 s7, s8;
	[dreg:$0x0] =	wrdreg $0x0  }
0xac: {  	s8 =	sshll.u32 s28, $0x1;
	[dreg:$0x2] =	wrdreg s7  }
0xad: {  	[dreg:$0x3] =	wrdreg s8  }
0xae: {  	[dreg:$0x4] =	wrdreg $0xC0  }
0xaf: {  	_ =	task [dreg:s11], $0x5FFFF  }
0xb0: {  	[dreg:$0x1] =	wrdreg $0xFFFFFFFF  }
0xb1: {  	[dreg:$0x0] =	wrdreg $0x60  }
0xb2: {  	[dreg:$0x2] =	wrdreg s2  }
0xb3: {  	[dreg:$0x3] =	wrdreg s19  }
0xb4: {  	[dreg:$0x4] =	wrdreg s4  }
0xb5: {  	[dreg:$0x5] =	wrdreg s5  }
0xb6: {  	[dreg:$0x6] =	wrdreg s6  }
0xb7: {  	[dreg:$0x7] =	wrdreg $0x41000  }
0xb8: {  	[dreg:$0x8] =	wrdreg $0x9  }
0xb9: {  	_ =	task.clear_ibuf [dreg:s11], $0x9FFFF;
	_ =	strace $0x90000046  }
0xba: {  	s29 =	simm.s32 $0x9;
	_ =	strace $0x80000048  }
0xbb: {  	_ =	swait.ge [sflag:s29], $0x1  }
0xbc: {  	[sflag:s29] =	ssyncadd.s32 $0xFFFFFFFF  }
0xbd: {  	_ =	strace $0x90000048  }
0xbe: {  	_ =	sfence  }
0xbf: {  	s30 =	sld [smem:$0x0];
	_ =	sdelay $0x2  }
0xc0: {  	s31 =	sshll.u32 s1, $0xD;
	s1 =	sshrl.u32 s1, $0x2  }
0xc1: {  	s3 =	sand.u32 $0x4000, s31;
	s1 =	sadd.s32 s1, s30  }
0xc2: {  	s0 =	sor.u32 s3, s0;
	s1 =	sshll.u32 s1, $0x11  }
0xc3: {  	s0 =	sor.u32 s1, s0  }
0xc4: {  	s0 =	sadd.s32 $0x8F2B, s0  }
0xc5: {  	[sflag:s0] =	ssyncadd.remote.s32 $0x1  }
0xc6: {  	_ =	sfence.sel $0xFFFF  }
0xc7: {  	[dreg:$0x0] =	wrdreg $0xFFFFFFFF;
	(pc) =	sbr.abs _section_cstart, $3  }
0xc8: {  	[dreg:$0x1] =	wrdreg $0xFFFFFFFF  }
0xc9: {  	_ =	task.clear_ibuf [dreg:s11], $0x2FFFF;
	_ =	strace $0x9FFFFFFF  }
0xca: {  	(tm) =	ssettm $0x7FFFFFFF  }
0xcb: {  	_ =	shalt  }
tec
execute0_lowered:
.L_overlay_start_1:
0x0: {  	(tag) =	ssettag $0x1  }
0x1: {  	s1 =	rddreg [dreg:$0x0]  }
0x2: {  	s8 =	rddreg [dreg:$0x1]  }
0x3: {  	s9 =	rddreg [dreg:$0x2]  }
0x4: {  	s5 =	rddreg [dreg:$0x3]  }
0x5: {  	s7 =	rddreg [dreg:$0x4]  }
0x6: {  	s3 =	rddreg [dreg:$0x5]  }
0x7: {  	s0 =	rddreg [dreg:$0x6];
	s2 =	stileid.u32  }
0x8: {  	s6 =	srdreg.scid;
	s4 =	simm.s32 $0x0;
	s26 =	smul.u32 $0x4F000, s2  }
0x9: {  	s16 =	simm.s32 $0x0;
	s10 =	sand.u32 $0x1, s6;
	s12 =	smul.u32 $0x13C00, s2  }
0xa: {  	[smem:$0x7FF] =	sst s4;
	s29 =	sshll.u32 s2, $0x6;
	s30 =	smul.u32 $0x9E0, s2  }
0xb: {  	s11 =	ssub.s32 $0x2, s10;
	_ =	strace $0x80000047;
	s15 =	smul.u32 $0x13C000, s10  }
0xc: {  	s10 =	smul.u32 $0x4F0, s10;
	s13 =	sshrl.u32 s11, $0x1;
	s6 =	sshrl.u32 s26, $0x2  }
0xd: {  	s14 =	sshrl.u32 s12, $0x3;
	s31 =	sadd.s32 s30, s8;
	s11 =	ssub.s32 s11, s13  }
0xe: {  	s28 =	sadd.s32 s6, s3;
	s5 =	sadd.s32 s5, s14;
	s12 =	sadd.s32 s12, s15  }
0xf: {  	s6 =	sor.u32 $0x1C02, s29;
	s14 =	sadd.s32 s30, s9;
	s9 =	sadd.s32 s10, s31  }
0x10: {  	s13 =	simm.s32 $0x80;
	s15 =	simm.s32 $0x1;
	s12 =	sshrl.u32 s12, $0x3  }
0x11: {  	s8 =	smax.u32 s11, $0x1;
	s10 =	sadd.s32 s10, s14;
	s11 =	sshrl.u32 s28, $0x3  }
0x12: {  	s14 =	simm.s32 $0x100;
	s7 =	sadd.s32 s7, s12;
	s12 =	simm.s32 $0x2  }
.LBB2_1:
0x13: {  	[spmem:s11], [sflag:s6] =	dma.local [hbm:s5], $0x2780  }
0x14: {  	_ =	swait.ge [sflag:s12], $0x2780  }
0x15: {  	[sflag:s12] =	ssyncset.done $0x0  }
0x16: {  	[sflag:s12] =	ssyncadd.s32 $0xFFFFD880  }
0x17: {  	s17 =	sadd.s32 $0x0, s9;
	[bflag:$0x0] =	sbarrier.arrive $0xFFFF  }
0x18: {  	[tilespmem:s4], [sflag:$0x2] =	stream.linear.gather [hbm4b:s17+s4], $0x80, $0x38;
	[tilespmem:$0x17D00] =	vst v63  }
0x19: {  	_ =	swait.ge [sflag:s12], $0x80  }
0x1a: {  	[sflag:s12] =	ssyncset.done $0x0  }
0x1b: {  	s31 =	sadd.s32 $0x0, s10;
	[sflag:s12] =	ssyncadd.s32 $0xFFFFFF80  }
0x1c: {  	[tilespmem:s13], [sflag:$0x2] =	stream.linear.gather [hbm4b:s31+s4], $0x80, $0x38;
	[tilespmem:$0x17D00] =	vst v63  }
0x1d: {  	_ =	swait.ge [sflag:s12], $0x80  }
0x1e: {  	[sflag:s12] =	ssyncset.done $0x0  }
0x1f: {  	[sflag:s12] =	ssyncadd.s32 $0xFFFFFF80  }
0x20: {  	[tilespmem:s14], [sflag:$0x1] =	stream.indirect.gather [hbm4b:s1+s13], $0x80, s4, s13, $0xb8;
	[tilespmem:$0x17D00] =	vst v63  }
0x21: {  	_ =	swait.ge [sflag:s15], $0x4000  }
0x22: {  	[sflag:s15] =	ssyncset.done $0x0  }
0x23: {  	[sflag:s15] =	ssyncadd.s32 $0xFFFFC000  }
0x24: {  	[spmem:s3] =	stream.indirect.scatter.add.f32 [tilespmem:s14], [sflag:$0x2], $0x80, s13, s13, $0xb8;
	[tilespmem:$0x17D00] =	vst v63  }
0x25: {  	_ =	swait.ge [sflag:s12], $0x4000  }
0x26: {  	s18 =	simm.s32 $0x20;
	s17 =	simm.s32 $0x10;
	[sflag:s12] =	ssyncset.done $0x0  }
.LBB2_2:
0x27: {  	s19 =	sadd.s32 s17, s9  }
0x28: {  	[sflag:s12] =	ssyncadd.s32 $0xFFFFC000;
	s20 =	smov.u32 s18;
	s21 =	sadd.s32 $0x10, s18  }
0x29: {  	[tilespmem:s4], [sflag:$0x2] =	stream.linear.gather [hbm4b:s19+s4], $0x80, $0x38;
	[tilespmem:$0x17D00] =	vst v63  }
0x2a: {  	p0 =	sne.s32 s18, $0x4E0;
	_ =	swait.ge [sflag:s12], $0x80  }
0x2b: {  	[sflag:s12] =	ssyncset.done $0x0  }
0x2c: {  	s18 =	sadd.s32 s17, s10;
	s17 =	smov.u32 s20;
	[sflag:s12] =	ssyncadd.s32 $0xFFFFFF80  }
0x2d: {  	[tilespmem:s13], [sflag:$0x2] =	stream.linear.gather [hbm4b:s18+s4], $0x80, $0x38;
	[tilespmem:$0x17D00] =	vst v63  }
0x2e: {  	_ =	swait.ge [sflag:s12], $0x80  }
0x2f: {  	[sflag:s12] =	ssyncset.done $0x0  }
0x30: {  	[sflag:s12] =	ssyncadd.s32 $0xFFFFFF80  }
0x31: {  	[tilespmem:s14], [sflag:$0x1] =	stream.indirect.gather [hbm4b:s1+s13], $0x80, s4, s13, $0xb8;
	[tilespmem:$0x17D00] =	vst v63  }
0x32: {  	_ =	swait.ge [sflag:s15], $0x4000  }
.Ltmp0:
0x33: {  	[sflag:s15] =	ssyncset.done $0x0;
	(pc) =	sbr.rel @p0 .LBB2_2-.Ltmp0, $4  }
0x34: {  	[sflag:s15] =	ssyncadd.s32 $0xFFFFC000  }
0x35: {  	[spmem:s3] =	stream.indirect.scatter.add.f32 [tilespmem:s14], [sflag:$0x2], $0x80, s13, s13, $0xb8;
	[tilespmem:$0x17D00] =	vst v63  }
0x36: {  	_ =	swait.ge [sflag:s12], $0x4000  }
0x37: {  	s18 =	smov.u32 s21;
	[sflag:s12] =	ssyncset.done $0x0  }
0x38: {  	s18 =	sadd.s32 s17, s9;
	[sflag:s12] =	ssyncadd.s32 $0xFFFFC000  }
0x39: {  	[tilespmem:s4], [sflag:$0x2] =	stream.linear.gather [hbm4b:s18+s4], $0x80, $0x38;
	[tilespmem:$0x17D00] =	vst v63  }
0x3a: {  	_ =	swait.ge [sflag:s12], $0x80  }
0x3b: {  	[sflag:s12] =	ssyncset.done $0x0  }
0x3c: {  	s31 =	sadd.s32 s17, s10;
	[sflag:s12] =	ssyncadd.s32 $0xFFFFFF80  }
0x3d: {  	[tilespmem:s13], [sflag:$0x2] =	stream.linear.gather [hbm4b:s31+s4], $0x80, $0x38;
	[tilespmem:$0x17D00] =	vst v63  }
0x3e: {  	_ =	swait.ge [sflag:s12], $0x80  }
0x3f: {  	[sflag:s12] =	ssyncset.done $0x0  }
0x40: {  	[sflag:s12] =	ssyncadd.s32 $0xFFFFFF80  }
0x41: {  	[tilespmem:s14], [sflag:$0x1] =	stream.indirect.gather [hbm4b:s1+s13], $0x80, s4, s13, $0xb8;
	[tilespmem:$0x17D00] =	vst v63  }
0x42: {  	_ =	swait.ge [sflag:s15], $0x4000  }
0x43: {  	[sflag:s15] =	ssyncset.done $0x0  }
0x44: {  	[sflag:s15] =	ssyncadd.s32 $0xFFFFC000  }
0x45: {  	[spmem:s3] =	stream.indirect.scatter.add.f32 [tilespmem:s14], [sflag:$0x2], $0x80, s13, s13, $0xb8;
	[tilespmem:$0x17D00] =	vst v63  }
0x46: {  	_ =	swait.ge [sflag:s12], $0x4000  }
0x47: {  	s16 =	sadd.s32 $0x1, s16;
	[sflag:s12] =	ssyncset.done $0x0  }
0x48: {  	p0 =	sne.s32 s16, s8;
	[sflag:s12] =	ssyncadd.s32 $0xFFFFC000  }
.Ltmp1:
0x49: {  	[bflag:$0x0] =	sbarrier.arrive $0xFFFF;
	(pc) =	sbr.rel @p0 .LBB2_1-.Ltmp1, $4  }
0x4a: {  	[hbm:s7], [sflag:s6] =	dma.local [spmem:s11], $0x2780  }
0x4b: {  	_ =	swait.ge [sflag:s12], $0x2780  }
0x4c: {  	[sflag:s12] =	ssyncset.done $0x0  }
0x4d: {  	[sflag:s12] =	ssyncadd.s32 $0xFFFFD880  }
0x4e: {  	_ =	sfence.sel $0x180000  }
0x4f: {  	[bflag:$0x0] =	sbarrier.arrive $0xFFFF  }
0x50: {  	p0 =	sne.s32 s2, $0x0;
	_ =	strace $0x90000047  }
0x51: {  	s0 =	sadd.s32 @!p0 $0x100000, s0;
	[bflag:$0x2] =	sbarrier.arrive $0xFFFF  }
0x52: {  	[sflag:s0] =	ssyncadd.tile.s32 @!p0 $0x1;
	_ =	shalt  }
.Lfunc_end2:
_tile_overlayer_lowered:
.L_overlay_start_2:
0x53: {  	(tag) =	ssettag $0x2  }
0x54: {  	s0 =	rddreg [dreg:$0x0];
	s2 =	stileid.u32  }
0x55: {  	s1 =	rddreg [dreg:$0x1];
	p0 =	sne.s32 s2, $0x0  }
0x56: {  	s3 =	rddreg [dreg:$0x2];
	[bflag:$0x3] =	sbarrier.arrive $0xFFFF;
	s2 =	simm.s32 @!p0 $0x1C02  }
0x57: {  	[timem:s3], [sflag:s2] =	dma.local @!p0 [hbm:s0], s1  }
0x58: {  	s0 =	simm.s32 @!p0 $0x2  }
0x59: {  	_ =	swait.ge @!p0 [sflag:s0], s1  }
0x5a: {  	s1 =	ssub.s32 @!p0 $0x0, s1;
	[sflag:s0] =	ssyncset.done @!p0 $0x0  }
0x5b: {  	[sflag:s0] =	ssyncadd.s32 @!p0 s1  }
0x5c: {  	[bflag:$0x3] =	sbarrier.arrive $0xFFFF  }
0x5d: {  	_ =	shalt  }

</sc_bundles>
